<compile_context>
chip_gen: v7x
topology: tpu7x:2x2x1
jax: 0.10.2.dev20260603
libtpu: 0.0.44.dev20260713+nightly
codegen_flags: <defaults>
</compile_context>

<pallas_src>
import functools

import jax
import jax.numpy as jnp
from jax import lax
from jax.experimental import pallas as pl
from jax.experimental.pallas import tpu as pltpu
from jax.experimental.pallas import tpu_sc as plsc



def _sc_gather(emb, idx_flat):
    info = plsc.get_sparse_core_info()
    nw = info.num_cores * info.num_subcores
    b = idx_flat.shape[0]
    d = emb.shape[1]
    b_per_w = b // nw
    mesh = plsc.VectorSubcoreMesh(core_axis_name="c", subcore_axis_name="s")

    @functools.partial(
        pl.kernel,
        mesh=mesh,
        compiler_params=pltpu.CompilerParams(use_tc_tiling_on_sc=False),
        out_type=jax.ShapeDtypeStruct((b, d), jnp.float32),
        scratch_types=[
            pltpu.VMEM((b_per_w,), jnp.int32),
            pltpu.VMEM((b_per_w, d), jnp.float32),
            pltpu.SemaphoreType.DMA,
        ],
    )
    def gather_kernel(table_hbm, idx_hbm, out_hbm, idx_v, rows_v, sem):
        wid = lax.axis_index("s") * info.num_cores + lax.axis_index("c")
        base = wid * b_per_w
        pltpu.sync_copy(idx_hbm.at[pl.ds(base, b_per_w)], idx_v)
        pltpu.async_copy(table_hbm.at[idx_v], rows_v, sem).wait()
        pltpu.sync_copy(rows_v, out_hbm.at[pl.ds(base, b_per_w)])

    return gather_kernel(emb, idx_flat)



_TN = 1024
_NBUF = 4


def _mlp_body(nt_full, tail, g_ref, w1_ref, b1_ref, b2_hbm, w2_hbm, out_hbm,
              h_ref, w2_bufs, out_bufs, b2_bufs, w2t_buf, outt_buf, b2t_buf,
              in_sems, out_sems, b2_sems, t_sems):
    tail_base = nt_full * _TN

    def w2_in(j, slot):
        return pltpu.make_async_copy(
            w2_hbm.at[:, pl.ds(j * _TN, _TN)], w2_bufs.at[slot],
            in_sems.at[slot])

    def b2_in(j, slot):
        return pltpu.make_async_copy(
            b2_hbm.at[:, pl.ds(j * _TN, _TN)], b2_bufs.at[slot],
            b2_sems.at[slot])

    def out_dma(j, slot):
        return pltpu.make_async_copy(
            out_bufs.at[slot], out_hbm.at[:, pl.ds(j * _TN, _TN)],
            out_sems.at[slot])

    pltpu.make_async_copy(
        w2_hbm.at[:, pl.ds(tail_base, tail)], w2t_buf, t_sems.at[0]).start()
    pltpu.make_async_copy(
        b2_hbm.at[:, pl.ds(tail_base, tail)], b2t_buf, t_sems.at[1]).start()
    for s in range(_NBUF):
        w2_in(s, s).start()
        b2_in(s, s).start()

    h = jnp.dot(g_ref[...], w1_ref[...], preferred_element_type=jnp.float32)
    h_ref[...] = jnp.maximum(h + b1_ref[...], 0.0).astype(jnp.bfloat16)

    def step(j, carry):
        slot = lax.rem(j, _NBUF)
        w2_in(j, slot).wait()
        b2_in(j, slot).wait()

        @pl.when(j >= _NBUF)
        def _():
            out_dma(j - _NBUF, slot).wait()

        r = jnp.dot(
            h_ref[...],
            w2_bufs[slot].astype(jnp.bfloat16),
            preferred_element_type=jnp.float32,
        ) + b2_bufs[slot]
        out_bufs[slot] = r
        out_dma(j, slot).start()

        @pl.when(j + _NBUF < nt_full)
        def _():
            w2_in(j + _NBUF, slot).start()
            b2_in(j + _NBUF, slot).start()

        return carry

    lax.fori_loop(0, nt_full, step, 0)

    pltpu.make_async_copy(
        w2_hbm.at[:, pl.ds(tail_base, tail)], w2t_buf, t_sems.at[0]).wait()
    pltpu.make_async_copy(
        b2_hbm.at[:, pl.ds(tail_base, tail)], b2t_buf, t_sems.at[1]).wait()
    outt_buf[...] = jnp.dot(
        h_ref[...],
        w2t_buf[...].astype(jnp.bfloat16),
        preferred_element_type=jnp.float32,
    ) + b2t_buf[...]
    pltpu.make_async_copy(
        outt_buf, out_hbm.at[:, pl.ds(tail_base, tail)], t_sems.at[2]).start()

    for s in range(_NBUF):
        j = nt_full - _NBUF + s
        out_dma(j, j % _NBUF).wait()
    pltpu.make_async_copy(
        outt_buf, out_hbm.at[:, pl.ds(tail_base, tail)], t_sems.at[2]).wait()


def _mlp(g, W1, b1, W2, b2):
    batch, feat = g.shape
    hidden = W1.shape[1]
    vocab = W2.shape[1]
    nt_full = vocab // _TN
    tail = vocab - nt_full * _TN
    b1r = b1.reshape(1, hidden)
    b2r = b2.reshape(1, vocab)
    return pl.pallas_call(
        functools.partial(_mlp_body, nt_full, tail),
        in_specs=[
            pl.BlockSpec(memory_space=pltpu.VMEM),
            pl.BlockSpec(memory_space=pltpu.VMEM),
            pl.BlockSpec(memory_space=pltpu.VMEM),
            pl.BlockSpec(memory_space=pltpu.HBM),
            pl.BlockSpec(memory_space=pltpu.HBM),
        ],
        out_specs=pl.BlockSpec(memory_space=pltpu.HBM),
        out_shape=jax.ShapeDtypeStruct((batch, vocab), jnp.float32),
        scratch_shapes=[
            pltpu.VMEM((batch, hidden), jnp.bfloat16),
            pltpu.VMEM((_NBUF, hidden, _TN), jnp.float32),
            pltpu.VMEM((_NBUF, batch, _TN), jnp.float32),
            pltpu.VMEM((_NBUF, 1, _TN), jnp.float32),
            pltpu.VMEM((hidden, tail), jnp.float32),
            pltpu.VMEM((batch, tail), jnp.float32),
            pltpu.VMEM((1, tail), jnp.float32),
            pltpu.SemaphoreType.DMA((_NBUF,)),
            pltpu.SemaphoreType.DMA((_NBUF,)),
            pltpu.SemaphoreType.DMA((_NBUF,)),
            pltpu.SemaphoreType.DMA((3,)),
        ],
        compiler_params=pltpu.CompilerParams(
            vmem_limit_bytes=60 * 1024 * 1024,
            needs_layout_passes=True,
        ),
    )(g, W1, b1r, b2r, W2)


def kernel(x, emb, W1, b1, W2, b2):
    batch, block_size = x.shape
    emb_dim = emb.shape[1]
    idx_flat = x.reshape(-1).astype(jnp.int32)
    rows = _sc_gather(emb, idx_flat)
    g = rows.reshape(batch, block_size * emb_dim)
    return _mlp(g, W1, b1, W2, b2)

# --- scband reference (transcript-rebuilt; emitter-appended) ---
"""Pipeline reference for scband-next-word-50766513438750 (READ-ONLY COPY).

The authoritative reference and input builder live on the scoring server;
editing this copy changes nothing except your own understanding.
"""

import jax, jax.numpy as jnp
import numpy as np


def setup_inputs(seed: int = 0) -> dict:
    key = jax.random.key(seed)
    ks = jax.random.split(key, 6)
    batch, block_size, vocab, emb_dim, hidden = 1024, 20, 100000, 16, 1024
    x = jax.random.randint(ks[0], (batch, block_size), 0, vocab, dtype=jnp.int64 if jax.config.jax_enable_x64 else jnp.int32)
    emb = jax.random.normal(ks[1], (vocab, emb_dim), dtype=jnp.float32) * 0.02
    W1 = jax.random.normal(ks[2], (block_size * emb_dim, hidden), dtype=jnp.float32) * (1.0 / np.sqrt(block_size * emb_dim))
    b1 = jnp.zeros((hidden,), dtype=jnp.float32)
    W2 = jax.random.normal(ks[3], (hidden, vocab), dtype=jnp.float32) * (1.0 / np.sqrt(hidden))
    b2 = jnp.zeros((vocab,), dtype=jnp.float32)
    return {"x": x, "emb": emb, "W1": W1, "b1": b1, "W2": W2, "b2": b2}


def reference(x, emb, W1, b1, W2, b2):
    # emb lookup: [B, T] -> [B, T, D]
    h = jnp.take(emb, x, axis=0)
    # flatten: [B, T*D]
    h = h.reshape(h.shape[0], -1)
    # lin1 + relu
    h = jax.nn.relu(h @ W1 + b1)
    # lin2 -> logits [B, vocab]
    logits = h @ W2 + b2
    return logits

if __name__ == "__main__":
    import jax
    _d = setup_inputs()
    print(jax.jit(kernel)(*tuple(_d.values())))

</pallas_src>

<mosaic_0001>
#map = affine_map<(d0, d1) -> (0, 0)>
#map1 = affine_map<(d0, d1) -> (0)>
module attributes {stable_mosaic.version = 14 : i64} {
  func.func @gather_kernel(%arg0: i32, %arg1: i32, %arg2: memref<100000x16xf32, #tpu.memory_space<hbm>>, %arg3: memref<20480xi32, #tpu.memory_space<hbm>>, %arg4: memref<20480x16xf32, #tpu.memory_space<hbm>>, %arg5: memref<640xi32, #tpu.memory_space<vmem>>, %arg6: memref<640x16xf32, #tpu.memory_space<vmem>>, %arg7: memref<!tpu.dma_semaphore, #tpu.memory_space<semaphore_mem>>) attributes {dimension_semantics = [#tpu.dimension_semantics<core_parallel>, #tpu.dimension_semantics<subcore_parallel>], iteration_bounds = array<i64: 2, 16>, scalar_prefetch = 0 : i64, scratch_operands = 3 : i64, tpu.core_type = #tpu.core_type<sc_vector_subcore>, window_params = [{transform_indices = #map}, {transform_indices = #map1}, {transform_indices = #map}]} {
    %mul3A = arith.constant 2 : i32
    %mul3A_0 = arith.muli %arg1, %mul3A : i32
    %add3A = arith.addi %mul3A_0, %arg0 : i32
    %mul3A_1 = arith.constant 640 : i32
    %mul3A_2 = arith.muli %add3A, %mul3A_1 : i32
    "tpu.region"() ({
      %run_scoped3A = tpu.sem_alloc : memref<!tpu.dma_semaphore, #tpu.memory_space<semaphore_mem>>
      %dma_start3A_7 = tpu.memref_slice %arg3[%mul3A_2] : memref<20480xi32, #tpu.memory_space<hbm>> -> memref<640xi32, #tpu.memory_space<hbm>>
      %dma_start3A_8 = tpu.memref_slice %arg3[%mul3A_2] : memref<20480xi32, #tpu.memory_space<hbm>> -> memref<640xi32, #tpu.memory_space<hbm>>
      tpu.enqueue_dma source(%dma_start3A_8 : memref<640xi32, #tpu.memory_space<hbm>>) target(%arg5 : memref<640xi32, #tpu.memory_space<vmem>>) target_semaphore(%run_scoped3A : memref<!tpu.dma_semaphore, #tpu.memory_space<semaphore_mem>>)
      %dma_wait3A_9 = tpu.memref_slice %arg3[%mul3A_2] : memref<20480xi32, #tpu.memory_space<hbm>> -> memref<640xi32, #tpu.memory_space<hbm>>
      %dma_wait3A_10 = tpu.memref_slice %arg3[%mul3A_2] : memref<20480xi32, #tpu.memory_space<hbm>> -> memref<640xi32, #tpu.memory_space<hbm>>
      tpu.wait_dma2 semaphore(%run_scoped3A : memref<!tpu.dma_semaphore, #tpu.memory_space<semaphore_mem>>) src(%dma_wait3A_10 : memref<640xi32, #tpu.memory_space<hbm>>) dst(%arg5 : memref<640xi32, #tpu.memory_space<vmem>>)
      tpu.yield
    }) : () -> ()
    %dma_start3A = arith.constant 0 : i32
    %dma_start3A_3 = arith.constant 0 : i32
    %dma_start3A_4 = tpu.memref_slice %arg2[%dma_start3A, %dma_start3A_3] : memref<100000x16xf32, #tpu.memory_space<hbm>> -> memref<100000x16xf32, #tpu.memory_space<hbm>>
    tpu.enqueue_indirect_dma source(%dma_start3A_4 : memref<100000x16xf32, #tpu.memory_space<hbm>>) target(%arg6 : memref<640x16xf32, #tpu.memory_space<vmem>>) offsets(%arg5 : memref<640xi32, #tpu.memory_space<vmem>>) semaphore(%arg7 : memref<!tpu.dma_semaphore, #tpu.memory_space<semaphore_mem>>)
    %dma_wait3A = arith.constant 0 : i32
    %dma_wait3A_5 = arith.constant 0 : i32
    %dma_wait3A_6 = tpu.memref_slice %arg2[%dma_wait3A, %dma_wait3A_5] : memref<100000x16xf32, #tpu.memory_space<hbm>> -> memref<100000x16xf32, #tpu.memory_space<hbm>>
    tpu.wait_indirect_dma semaphore(%arg7 : memref<!tpu.dma_semaphore, #tpu.memory_space<semaphore_mem>>) src(%dma_wait3A_6 : memref<100000x16xf32, #tpu.memory_space<hbm>>) dst(%arg6 : memref<640x16xf32, #tpu.memory_space<vmem>>)
    "tpu.region"() ({
      %run_scoped3A = tpu.sem_alloc : memref<!tpu.dma_semaphore, #tpu.memory_space<semaphore_mem>>
      %dma_start3A_7 = arith.constant 0 : i32
      %dma_start3A_8 = tpu.memref_slice %arg4[%mul3A_2, %dma_start3A_7] : memref<20480x16xf32, #tpu.memory_space<hbm>> -> memref<640x16xf32, #tpu.memory_space<hbm>>
      %dma_start3A_9 = arith.constant 0 : i32
      %dma_start3A_10 = tpu.memref_slice %arg4[%mul3A_2, %dma_start3A_9] : memref<20480x16xf32, #tpu.memory_space<hbm>> -> memref<640x16xf32, #tpu.memory_space<hbm>>
      tpu.enqueue_dma source(%arg6 : memref<640x16xf32, #tpu.memory_space<vmem>>) target(%dma_start3A_10 : memref<640x16xf32, #tpu.memory_space<hbm>>) target_semaphore(%run_scoped3A : memref<!tpu.dma_semaphore, #tpu.memory_space<semaphore_mem>>)
      %dma_wait3A_11 = arith.constant 0 : i32
      %dma_wait3A_12 = tpu.memref_slice %arg4[%mul3A_2, %dma_wait3A_11] : memref<20480x16xf32, #tpu.memory_space<hbm>> -> memref<640x16xf32, #tpu.memory_space<hbm>>
      %dma_wait3A_13 = arith.constant 0 : i32
      %dma_wait3A_14 = tpu.memref_slice %arg4[%mul3A_2, %dma_wait3A_13] : memref<20480x16xf32, #tpu.memory_space<hbm>> -> memref<640x16xf32, #tpu.memory_space<hbm>>
      tpu.wait_dma2 semaphore(%run_scoped3A : memref<!tpu.dma_semaphore, #tpu.memory_space<semaphore_mem>>) src(%arg6 : memref<640x16xf32, #tpu.memory_space<vmem>>) dst(%dma_wait3A_14 : memref<640x16xf32, #tpu.memory_space<hbm>>)
      tpu.yield
    }) : () -> ()
    return
  }
}

module attributes {stable_mosaic.version = 14 : i64} {
  func.func @_mlp_body(%arg0: memref<1024x320xf32, #tpu.memory_space<vmem>>, %arg1: memref<320x1024xf32, #tpu.memory_space<vmem>>, %arg2: memref<1x1024xf32, #tpu.memory_space<vmem>>, %arg3: memref<1x100000xf32, #tpu.memory_space<hbm>>, %arg4: memref<1024x100000xf32, #tpu.memory_space<hbm>>, %arg5: memref<1024x100000xf32, #tpu.memory_space<hbm>>, %arg6: memref<1024x1024xbf16, #tpu.memory_space<vmem>>, %arg7: memref<4x1024x1024xf32, #tpu.memory_space<vmem>>, %arg8: memref<4x1024x1024xf32, #tpu.memory_space<vmem>>, %arg9: memref<4x1x1024xf32, #tpu.memory_space<vmem>>, %arg10: memref<1024x672xf32, #tpu.memory_space<vmem>>, %arg11: memref<1024x672xf32, #tpu.memory_space<vmem>>, %arg12: memref<1x672xf32, #tpu.memory_space<vmem>>, %arg13: memref<4x!tpu.dma_semaphore, #tpu.memory_space<semaphore_mem>>, %arg14: memref<4x!tpu.dma_semaphore, #tpu.memory_space<semaphore_mem>>, %arg15: memref<4x!tpu.dma_semaphore, #tpu.memory_space<semaphore_mem>>, %arg16: memref<3x!tpu.dma_semaphore, #tpu.memory_space<semaphore_mem>>) attributes {dimension_semantics = [], scalar_prefetch = 0 : i64, scratch_operands = 11 : i64, tpu.core_type = #tpu.core_type<tc>} {
    %dma_start3A = arith.constant 0 : i32
    %dma_start3A_0 = tpu.memref_slice %arg16[%dma_start3A] : memref<3x!tpu.dma_semaphore, #tpu.memory_space<semaphore_mem>> -> memref<1x!tpu.dma_semaphore, #tpu.memory_space<semaphore_mem>>
    %dma_start3A_1 = tpu.memref_squeeze %dma_start3A_0 : memref<1x!tpu.dma_semaphore, #tpu.memory_space<semaphore_mem>> -> memref<!tpu.dma_semaphore, #tpu.memory_space<semaphore_mem>>
    %dma_start3A_2 = arith.constant 0 : i32
    %dma_start3A_3 = arith.constant 99328 : i32
    %dma_start3A_4 = tpu.memref_slice %arg4[%dma_start3A_2, %dma_start3A_3] : memref<1024x100000xf32, #tpu.memory_space<hbm>> -> memref<1024x672xf32, #tpu.memory_space<hbm>>
    tpu.enqueue_dma source(%dma_start3A_4 : memref<1024x672xf32, #tpu.memory_space<hbm>>) target(%arg10 : memref<1024x672xf32, #tpu.memory_space<vmem>>) target_semaphore(%dma_start3A_1 : memref<!tpu.dma_semaphore, #tpu.memory_space<semaphore_mem>>)
    %dma_start3A_5 = arith.constant 1 : i32
    %dma_start3A_6 = tpu.memref_slice %arg16[%dma_start3A_5] : memref<3x!tpu.dma_semaphore, #tpu.memory_space<semaphore_mem>> -> memref<1x!tpu.dma_semaphore, #tpu.memory_space<semaphore_mem>>
    %dma_start3A_7 = tpu.memref_squeeze %dma_start3A_6 : memref<1x!tpu.dma_semaphore, #tpu.memory_space<semaphore_mem>> -> memref<!tpu.dma_semaphore, #tpu.memory_space<semaphore_mem>>
    %dma_start3A_8 = arith.constant 0 : i32
    %dma_start3A_9 = arith.constant 99328 : i32
    %dma_start3A_10 = tpu.memref_slice %arg3[%dma_start3A_8, %dma_start3A_9] : memref<1x100000xf32, #tpu.memory_space<hbm>> -> memref<1x672xf32, #tpu.memory_space<hbm>>
    tpu.enqueue_dma source(%dma_start3A_10 : memref<1x672xf32, #tpu.memory_space<hbm>>) target(%arg12 : memref<1x672xf32, #tpu.memory_space<vmem>>) target_semaphore(%dma_start3A_7 : memref<!tpu.dma_semaphore, #tpu.memory_space<semaphore_mem>>)
    %dma_start3A_11 = arith.constant 0 : i32
    %dma_start3A_12 = arith.constant 0 : i32
    %dma_start3A_13 = tpu.memref_slice %arg13[%dma_start3A_12] : memref<4x!tpu.dma_semaphore, #tpu.memory_space<semaphore_mem>> -> memref<1x!tpu.dma_semaphore, #tpu.memory_space<semaphore_mem>>
    %dma_start3A_14 = tpu.memref_squeeze %dma_start3A_13 : memref<1x!tpu.dma_semaphore, #tpu.memory_space<semaphore_mem>> -> memref<!tpu.dma_semaphore, #tpu.memory_space<semaphore_mem>>
    %dma_start3A_15 = arith.constant 0 : i32
    %dma_start3A_16 = arith.constant 0 : i32
    %dma_start3A_17 = tpu.memref_slice %arg7[%dma_start3A_11, %dma_start3A_15, %dma_start3A_16] : memref<4x1024x1024xf32, #tpu.memory_space<vmem>> -> memref<1x1024x1024xf32, #tpu.memory_space<vmem>>
    %dma_start3A_18 = tpu.memref_squeeze %dma_start3A_17 : memref<1x1024x1024xf32, #tpu.memory_space<vmem>> -> memref<1024x1024xf32, #tpu.memory_space<vmem>>
    %dma_start3A_19 = arith.constant 0 : i32
    %dma_start3A_20 = arith.constant 0 : i32
    %dma_start3A_21 = tpu.memref_slice %arg4[%dma_start3A_19, %dma_start3A_20] : memref<1024x100000xf32, #tpu.memory_space<hbm>> -> memref<1024x1024xf32, #tpu.memory_space<hbm>>
    tpu.enqueue_dma source(%dma_start3A_21 : memref<1024x1024xf32, #tpu.memory_space<hbm>>) target(%dma_start3A_18 : memref<1024x1024xf32, #tpu.memory_space<vmem>>) target_semaphore(%dma_start3A_14 : memref<!tpu.dma_semaphore, #tpu.memory_space<semaphore_mem>>)
    %dma_start3A_22 = arith.constant 0 : i32
    %dma_start3A_23 = arith.constant 0 : i32
    %dma_start3A_24 = tpu.memref_slice %arg15[%dma_start3A_23] : memref<4x!tpu.dma_semaphore, #tpu.memory_space<semaphore_mem>> -> memref<1x!tpu.dma_semaphore, #tpu.memory_space<semaphore_mem>>
    %dma_start3A_25 = tpu.memref_squeeze %dma_start3A_24 : memref<1x!tpu.dma_semaphore, #tpu.memory_space<semaphore_mem>> -> memref<!tpu.dma_semaphore, #tpu.memory_space<semaphore_mem>>
    %dma_start3A_26 = arith.constant 0 : i32
    %dma_start3A_27 = arith.constant 0 : i32
    %dma_start3A_28 = tpu.memref_slice %arg9[%dma_start3A_22, %dma_start3A_26, %dma_start3A_27] : memref<4x1x1024xf32, #tpu.memory_space<vmem>> -> memref<1x1x1024xf32, #tpu.memory_space<vmem>>
    %dma_start3A_29 = tpu.memref_squeeze %dma_start3A_28 : memref<1x1x1024xf32, #tpu.memory_space<vmem>> -> memref<1x1024xf32, #tpu.memory_space<vmem>>
    %dma_start3A_30 = arith.constant 0 : i32
    %dma_start3A_31 = arith.constant 0 : i32
    %dma_start3A_32 = tpu.memref_slice %arg3[%dma_start3A_30, %dma_start3A_31] : memref<1x100000xf32, #tpu.memory_space<hbm>> -> memref<1x1024xf32, #tpu.memory_space<hbm>>
    tpu.enqueue_dma source(%dma_start3A_32 : memref<1x1024xf32, #tpu.memory_space<hbm>>) target(%dma_start3A_29 : memref<1x1024xf32, #tpu.memory_space<vmem>>) target_semaphore(%dma_start3A_25 : memref<!tpu.dma_semaphore, #tpu.memory_space<semaphore_mem>>)
    %dma_start3A_33 = arith.constant 1 : i32
    %dma_start3A_34 = arith.constant 1 : i32
    %dma_start3A_35 = tpu.memref_slice %arg13[%dma_start3A_34] : memref<4x!tpu.dma_semaphore, #tpu.memory_space<semaphore_mem>> -> memref<1x!tpu.dma_semaphore, #tpu.memory_space<semaphore_mem>>
    %dma_start3A_36 = tpu.memref_squeeze %dma_start3A_35 : memref<1x!tpu.dma_semaphore, #tpu.memory_space<semaphore_mem>> -> memref<!tpu.dma_semaphore, #tpu.memory_space<semaphore_mem>>
    %dma_start3A_37 = arith.constant 0 : i32
    %dma_start3A_38 = arith.constant 0 : i32
    %dma_start3A_39 = tpu.memref_slice %arg7[%dma_start3A_33, %dma_start3A_37, %dma_start3A_38] : memref<4x1024x1024xf32, #tpu.memory_space<vmem>> -> memref<1x1024x1024xf32, #tpu.memory_space<vmem>>
    %dma_start3A_40 = tpu.memref_squeeze %dma_start3A_39 : memref<1x1024x1024xf32, #tpu.memory_space<vmem>> -> memref<1024x1024xf32, #tpu.memory_space<vmem>>
    %dma_start3A_41 = arith.constant 0 : i32
    %dma_start3A_42 = arith.constant 1024 : i32
    %dma_start3A_43 = tpu.memref_slice %arg4[%dma_start3A_41, %dma_start3A_42] : memref<1024x100000xf32, #tpu.memory_space<hbm>> -> memref<1024x1024xf32, #tpu.memory_space<hbm>>
    tpu.enqueue_dma source(%dma_start3A_43 : memref<1024x1024xf32, #tpu.memory_space<hbm>>) target(%dma_start3A_40 : memref<1024x1024xf32, #tpu.memory_space<vmem>>) target_semaphore(%dma_start3A_36 : memref<!tpu.dma_semaphore, #tpu.memory_space<semaphore_mem>>)
    %dma_start3A_44 = arith.constant 1 : i32
    %dma_start3A_45 = arith.constant 1 : i32
    %dma_start3A_46 = tpu.memref_slice %arg15[%dma_start3A_45] : memref<4x!tpu.dma_semaphore, #tpu.memory_space<semaphore_mem>> -> memref<1x!tpu.dma_semaphore, #tpu.memory_space<semaphore_mem>>
    %dma_start3A_47 = tpu.memref_squeeze %dma_start3A_46 : memref<1x!tpu.dma_semaphore, #tpu.memory_space<semaphore_mem>> -> memref<!tpu.dma_semaphore, #tpu.memory_space<semaphore_mem>>
    %dma_start3A_48 = arith.constant 0 : i32
    %dma_start3A_49 = arith.constant 0 : i32
    %dma_start3A_50 = tpu.memref_slice %arg9[%dma_start3A_44, %dma_start3A_48, %dma_start3A_49] : memref<4x1x1024xf32, #tpu.memory_space<vmem>> -> memref<1x1x1024xf32, #tpu.memory_space<vmem>>
    %dma_start3A_51 = tpu.memref_squeeze %dma_start3A_50 : memref<1x1x1024xf32, #tpu.memory_space<vmem>> -> memref<1x1024xf32, #tpu.memory_space<vmem>>
    %dma_start3A_52 = arith.constant 0 : i32
    %dma_start3A_53 = arith.constant 1024 : i32
    %dma_start3A_54 = tpu.memref_slice %arg3[%dma_start3A_52, %dma_start3A_53] : memref<1x100000xf32, #tpu.memory_space<hbm>> -> memref<1x1024xf32, #tpu.memory_space<hbm>>
    tpu.enqueue_dma source(%dma_start3A_54 : memref<1x1024xf32, #tpu.memory_space<hbm>>) target(%dma_start3A_51 : memref<1x1024xf32, #tpu.memory_space<vmem>>) target_semaphore(%dma_start3A_47 : memref<!tpu.dma_semaphore, #tpu.memory_space<semaphore_mem>>)
    %dma_start3A_55 = arith.constant 2 : i32
    %dma_start3A_56 = arith.constant 2 : i32
    %dma_start3A_57 = tpu.memref_slice %arg13[%dma_start3A_56] : memref<4x!tpu.dma_semaphore, #tpu.memory_space<semaphore_mem>> -> memref<1x!tpu.dma_semaphore, #tpu.memory_space<semaphore_mem>>
    %dma_start3A_58 = tpu.memref_squeeze %dma_start3A_57 : memref<1x!tpu.dma_semaphore, #tpu.memory_space<semaphore_mem>> -> memref<!tpu.dma_semaphore, #tpu.memory_space<semaphore_mem>>
    %dma_start3A_59 = arith.constant 0 : i32
    %dma_start3A_60 = arith.constant 0 : i32
    %dma_start3A_61 = tpu.memref_slice %arg7[%dma_start3A_55, %dma_start3A_59, %dma_start3A_60] : memref<4x1024x1024xf32, #tpu.memory_space<vmem>> -> memref<1x1024x1024xf32, #tpu.memory_space<vmem>>
    %dma_start3A_62 = tpu.memref_squeeze %dma_start3A_61 : memref<1x1024x1024xf32, #tpu.memory_space<vmem>> -> memref<1024x1024xf32, #tpu.memory_space<vmem>>
    %dma_start3A_63 = arith.constant 0 : i32
    %dma_start3A_64 = arith.constant 2048 : i32
    %dma_start3A_65 = tpu.memref_slice %arg4[%dma_start3A_63, %dma_start3A_64] : memref<1024x100000xf32, #tpu.memory_space<hbm>> -> memref<1024x1024xf32, #tpu.memory_space<hbm>>
    tpu.enqueue_dma source(%dma_start3A_65 : memref<1024x1024xf32, #tpu.memory_space<hbm>>) target(%dma_start3A_62 : memref<1024x1024xf32, #tpu.memory_space<vmem>>) target_semaphore(%dma_start3A_58 : memref<!tpu.dma_semaphore, #tpu.memory_space<semaphore_mem>>)
    %dma_start3A_66 = arith.constant 2 : i32
    %dma_start3A_67 = arith.constant 2 : i32
    %dma_start3A_68 = tpu.memref_slice %arg15[%dma_start3A_67] : memref<4x!tpu.dma_semaphore, #tpu.memory_space<semaphore_mem>> -> memref<1x!tpu.dma_semaphore, #tpu.memory_space<semaphore_mem>>
    %dma_start3A_69 = tpu.memref_squeeze %dma_start3A_68 : memref<1x!tpu.dma_semaphore, #tpu.memory_space<semaphore_mem>> -> memref<!tpu.dma_semaphore, #tpu.memory_space<semaphore_mem>>
    %dma_start3A_70 = arith.constant 0 : i32
    %dma_start3A_71 = arith.constant 0 : i32
    %dma_start3A_72 = tpu.memref_slice %arg9[%dma_start3A_66, %dma_start3A_70, %dma_start3A_71] : memref<4x1x1024xf32, #tpu.memory_space<vmem>> -> memref<1x1x1024xf32, #tpu.memory_space<vmem>>
    %dma_start3A_73 = tpu.memref_squeeze %dma_start3A_72 : memref<1x1x1024xf32, #tpu.memory_space<vmem>> -> memref<1x1024xf32, #tpu.memory_space<vmem>>
    %dma_start3A_74 = arith.constant 0 : i32
    %dma_start3A_75 = arith.constant 2048 : i32
    %dma_start3A_76 = tpu.memref_slice %arg3[%dma_start3A_74, %dma_start3A_75] : memref<1x100000xf32, #tpu.memory_space<hbm>> -> memref<1x1024xf32, #tpu.memory_space<hbm>>
    tpu.enqueue_dma source(%dma_start3A_76 : memref<1x1024xf32, #tpu.memory_space<hbm>>) target(%dma_start3A_73 : memref<1x1024xf32, #tpu.memory_space<vmem>>) target_semaphore(%dma_start3A_69 : memref<!tpu.dma_semaphore, #tpu.memory_space<semaphore_mem>>)
    %dma_start3A_77 = arith.constant 3 : i32
    %dma_start3A_78 = arith.constant 3 : i32
    %dma_start3A_79 = tpu.memref_slice %arg13[%dma_start3A_78] : memref<4x!tpu.dma_semaphore, #tpu.memory_space<semaphore_mem>> -> memref<1x!tpu.dma_semaphore, #tpu.memory_space<semaphore_mem>>
    %dma_start3A_80 = tpu.memref_squeeze %dma_start3A_79 : memref<1x!tpu.dma_semaphore, #tpu.memory_space<semaphore_mem>> -> memref<!tpu.dma_semaphore, #tpu.memory_space<semaphore_mem>>
    %dma_start3A_81 = arith.constant 0 : i32
    %dma_start3A_82 = arith.constant 0 : i32
    %dma_start3A_83 = tpu.memref_slice %arg7[%dma_start3A_77, %dma_start3A_81, %dma_start3A_82] : memref<4x1024x1024xf32, #tpu.memory_space<vmem>> -> memref<1x1024x1024xf32, #tpu.memory_space<vmem>>
    %dma_start3A_84 = tpu.memref_squeeze %dma_start3A_83 : memref<1x1024x1024xf32, #tpu.memory_space<vmem>> -> memref<1024x1024xf32, #tpu.memory_space<vmem>>
    %dma_start3A_85 = arith.constant 0 : i32
    %dma_start3A_86 = arith.constant 3072 : i32
    %dma_start3A_87 = tpu.memref_slice %arg4[%dma_start3A_85, %dma_start3A_86] : memref<1024x100000xf32, #tpu.memory_space<hbm>> -> memref<1024x1024xf32, #tpu.memory_space<hbm>>
    tpu.enqueue_dma source(%dma_start3A_87 : memref<1024x1024xf32, #tpu.memory_space<hbm>>) target(%dma_start3A_84 : memref<1024x1024xf32, #tpu.memory_space<vmem>>) target_semaphore(%dma_start3A_80 : memref<!tpu.dma_semaphore, #tpu.memory_space<semaphore_mem>>)
    %dma_start3A_88 = arith.constant 3 : i32
    %dma_start3A_89 = arith.constant 3 : i32
    %dma_start3A_90 = tpu.memref_slice %arg15[%dma_start3A_89] : memref<4x!tpu.dma_semaphore, #tpu.memory_space<semaphore_mem>> -> memref<1x!tpu.dma_semaphore, #tpu.memory_space<semaphore_mem>>
    %dma_start3A_91 = tpu.memref_squeeze %dma_start3A_90 : memref<1x!tpu.dma_semaphore, #tpu.memory_space<semaphore_mem>> -> memref<!tpu.dma_semaphore, #tpu.memory_space<semaphore_mem>>
    %dma_start3A_92 = arith.constant 0 : i32
    %dma_start3A_93 = arith.constant 0 : i32
    %dma_start3A_94 = tpu.memref_slice %arg9[%dma_start3A_88, %dma_start3A_92, %dma_start3A_93] : memref<4x1x1024xf32, #tpu.memory_space<vmem>> -> memref<1x1x1024xf32, #tpu.memory_space<vmem>>
    %dma_start3A_95 = tpu.memref_squeeze %dma_start3A_94 : memref<1x1x1024xf32, #tpu.memory_space<vmem>> -> memref<1x1024xf32, #tpu.memory_space<vmem>>
    %dma_start3A_96 = arith.constant 0 : i32
    %dma_start3A_97 = arith.constant 3072 : i32
    %dma_start3A_98 = tpu.memref_slice %arg3[%dma_start3A_96, %dma_start3A_97] : memref<1x100000xf32, #tpu.memory_space<hbm>> -> memref<1x1024xf32, #tpu.memory_space<hbm>>
    tpu.enqueue_dma source(%dma_start3A_98 : memref<1x1024xf32, #tpu.memory_space<hbm>>) target(%dma_start3A_95 : memref<1x1024xf32, #tpu.memory_space<vmem>>) target_semaphore(%dma_start3A_91 : memref<!tpu.dma_semaphore, #tpu.memory_space<semaphore_mem>>)
    %get3A = arith.constant 0 : index
    %get3A_99 = arith.constant 0 : index
    %get3A_100 = vector.load %arg0[%get3A, %get3A_99] : memref<1024x320xf32, #tpu.memory_space<vmem>>, vector<1024x320xf32>
    %get3A_101 = arith.constant 0 : index
    %get3A_102 = arith.constant 0 : index
    %get3A_103 = vector.load %arg1[%get3A_101, %get3A_102] : memref<320x1024xf32, #tpu.memory_space<vmem>>, vector<320x1024xf32>
    %dot_general3A = arith.constant dense<0.000000e+00> : vector<1024x1024xf32>
    %dot_general3A_104 = tpu.matmul %get3A_100, %get3A_103, %dot_general3A {dimension_numbers = #tpu.dot_dimension_numbers<[1], [0], [0], [1], [0, 0, 1, 1], [], []>, transpose_lhs_hint = false} : vector<1024x320xf32>, vector<320x1024xf32>, vector<1024x1024xf32> -> vector<1024x1024xf32>
    %get3A_105 = arith.constant 0 : index
    %get3A_106 = arith.constant 0 : index
    %get3A_107 = vector.load %arg2[%get3A_105, %get3A_106] : memref<1x1024xf32, #tpu.memory_space<vmem>>, vector<1x1024xf32>
    %add3A = vector.broadcast %get3A_107 : vector<1x1024xf32> to vector<1024x1024xf32>
    %add3A_108 = arith.addf %dot_general3A_104, %add3A : vector<1024x1024xf32>
    %max3A = arith.constant 0.000000e+00 : f32
    %max3A_109 = vector.broadcast %max3A : f32 to vector<1024x1024xf32>
    %max3A_110 = arith.maximumf %add3A_108, %max3A_109 : vector<1024x1024xf32>
    %convert_element_type3A = arith.truncf %max3A_110 : vector<1024x1024xf32> to vector<1024x1024xbf16>
    %swap3A = arith.constant 0 : index
    %swap3A_111 = arith.constant 0 : index
    %swap3A_112 = vector.load %arg6[%swap3A, %swap3A_111] : memref<1024x1024xbf16, #tpu.memory_space<vmem>>, vector<1024x1024xbf16>
    tpu.vector_store %arg6[%swap3A, %swap3A_111], %convert_element_type3A {strides = array<i32>} : memref<1024x1024xbf16, #tpu.memory_space<vmem>>, vector<1024x1024xbf16>,
    %scan3A = arith.constant 0 : i32
    %scan3A_113 = arith.constant 97 : i32
    %scan3A_114 = arith.addi %scan3A, %scan3A_113 : i32
    %scan3A_115 = arith.constant 1 : i32
    scf.for %scan3A_201 = %scan3A to %scan3A_114 step %scan3A_115  : i32 {
      %rem3A = arith.constant 4 : i32
      %rem3A_202 = arith.remsi %scan3A_201, %rem3A : i32
      %mul3A = arith.constant 1024 : i32
      %mul3A_203 = arith.muli %scan3A_201, %mul3A : i32
      %dma_wait3A_204 = tpu.memref_slice %arg13[%rem3A_202] : memref<4x!tpu.dma_semaphore, #tpu.memory_space<semaphore_mem>> -> memref<1x!tpu.dma_semaphore, #tpu.memory_space<semaphore_mem>>
      %dma_wait3A_205 = tpu.memref_squeeze %dma_wait3A_204 : memref<1x!tpu.dma_semaphore, #tpu.memory_space<semaphore_mem>> -> memref<!tpu.dma_semaphore, #tpu.memory_space<semaphore_mem>>
      %dma_wait3A_206 = arith.constant 0 : i32
      %dma_wait3A_207 = arith.constant 0 : i32
      %dma_wait3A_208 = tpu.memref_slice %arg7[%rem3A_202, %dma_wait3A_206, %dma_wait3A_207] : memref<4x1024x1024xf32, #tpu.memory_space<vmem>> -> memref<1x1024x1024xf32, #tpu.memory_space<vmem>>
      %dma_wait3A_209 = tpu.memref_squeeze %dma_wait3A_208 : memref<1x1024x1024xf32, #tpu.memory_space<vmem>> -> memref<1024x1024xf32, #tpu.memory_space<vmem>>
      %dma_wait3A_210 = arith.constant 0 : i32
      %dma_wait3A_211 = tpu.memref_slice %arg4[%dma_wait3A_210, %mul3A_203] : memref<1024x100000xf32, #tpu.memory_space<hbm>> -> memref<1024x1024xf32, #tpu.memory_space<hbm>>
      tpu.wait_dma2 semaphore(%dma_wait3A_205 : memref<!tpu.dma_semaphore, #tpu.memory_space<semaphore_mem>>) src(%dma_wait3A_211 : memref<1024x1024xf32, #tpu.memory_space<hbm>>) dst(%dma_wait3A_209 : memref<1024x1024xf32, #tpu.memory_space<vmem>>)
      %mul3A_212 = arith.constant 1024 : i32
      %mul3A_213 = arith.muli %scan3A_201, %mul3A_212 : i32
      %dma_wait3A_214 = tpu.memref_slice %arg15[%rem3A_202] : memref<4x!tpu.dma_semaphore, #tpu.memory_space<semaphore_mem>> -> memref<1x!tpu.dma_semaphore, #tpu.memory_space<semaphore_mem>>
      %dma_wait3A_215 = tpu.memref_squeeze %dma_wait3A_214 : memref<1x!tpu.dma_semaphore, #tpu.memory_space<semaphore_mem>> -> memref<!tpu.dma_semaphore, #tpu.memory_space<semaphore_mem>>
      %dma_wait3A_216 = arith.constant 0 : i32
      %dma_wait3A_217 = arith.constant 0 : i32
      %dma_wait3A_218 = tpu.memref_slice %arg9[%rem3A_202, %dma_wait3A_216, %dma_wait3A_217] : memref<4x1x1024xf32, #tpu.memory_space<vmem>> -> memref<1x1x1024xf32, #tpu.memory_space<vmem>>
      %dma_wait3A_219 = tpu.memref_squeeze %dma_wait3A_218 : memref<1x1x1024xf32, #tpu.memory_space<vmem>> -> memref<1x1024xf32, #tpu.memory_space<vmem>>
      %dma_wait3A_220 = arith.constant 0 : i32
      %dma_wait3A_221 = tpu.memref_slice %arg3[%dma_wait3A_220, %mul3A_213] : memref<1x100000xf32, #tpu.memory_space<hbm>> -> memref<1x1024xf32, #tpu.memory_space<hbm>>
      tpu.wait_dma2 semaphore(%dma_wait3A_215 : memref<!tpu.dma_semaphore, #tpu.memory_space<semaphore_mem>>) src(%dma_wait3A_221 : memref<1x1024xf32, #tpu.memory_space<hbm>>) dst(%dma_wait3A_219 : memref<1x1024xf32, #tpu.memory_space<vmem>>)
      %ge3A = arith.constant 4 : i32
      %ge3A_222 = arith.cmpi sge, %scan3A_201, %ge3A : i32
      %convert_element_type3A_223 = arith.extui %ge3A_222 : i1 to i32
      %cond3A = arith.constant 0 : i32
      %cond3A_224 = arith.cmpi ne, %convert_element_type3A_223, %cond3A : i32
      scf.if %cond3A_224 {
        %sub3A = arith.constant 4 : i32
        %sub3A_265 = arith.subi %scan3A_201, %sub3A : i32
        %mul3A_266 = arith.constant 1024 : i32
        %mul3A_267 = arith.muli %sub3A_265, %mul3A_266 : i32
        %dma_wait3A_268 = tpu.memref_slice %arg14[%rem3A_202] : memref<4x!tpu.dma_semaphore, #tpu.memory_space<semaphore_mem>> -> memref<1x!tpu.dma_semaphore, #tpu.memory_space<semaphore_mem>>
        %dma_wait3A_269 = tpu.memref_squeeze %dma_wait3A_268 : memref<1x!tpu.dma_semaphore, #tpu.memory_space<semaphore_mem>> -> memref<!tpu.dma_semaphore, #tpu.memory_space<semaphore_mem>>
        %dma_wait3A_270 = arith.constant 0 : i32
        %dma_wait3A_271 = tpu.memref_slice %arg5[%dma_wait3A_270, %mul3A_267] : memref<1024x100000xf32, #tpu.memory_space<hbm>> -> memref<1024x1024xf32, #tpu.memory_space<hbm>>
        %dma_wait3A_272 = arith.constant 0 : i32
        %dma_wait3A_273 = arith.constant 0 : i32
        %dma_wait3A_274 = tpu.memref_slice %arg8[%rem3A_202, %dma_wait3A_272, %dma_wait3A_273] : memref<4x1024x1024xf32, #tpu.memory_space<vmem>> -> memref<1x1024x1024xf32, #tpu.memory_space<vmem>>
        %dma_wait3A_275 = tpu.memref_squeeze %dma_wait3A_274 : memref<1x1024x1024xf32, #tpu.memory_space<vmem>> -> memref<1024x1024xf32, #tpu.memory_space<vmem>>
        tpu.wait_dma2 semaphore(%dma_wait3A_269 : memref<!tpu.dma_semaphore, #tpu.memory_space<semaphore_mem>>) src(%dma_wait3A_275 : memref<1024x1024xf32, #tpu.memory_space<vmem>>) dst(%dma_wait3A_271 : memref<1024x1024xf32, #tpu.memory_space<hbm>>)
      } else {
      }
      %get3A_225 = arith.constant 0 : index
      %get3A_226 = arith.constant 0 : index
      %get3A_227 = vector.load %arg6[%get3A_225, %get3A_226] : memref<1024x1024xbf16, #tpu.memory_space<vmem>>, vector<1024x1024xbf16>
      %get3A_228 = arith.index_cast %rem3A_202 : i32 to index
      %get3A_229 = arith.constant 0 : index
      %get3A_230 = arith.constant 0 : index
      %get3A_231 = vector.load %arg7[%get3A_228, %get3A_229, %get3A_230] : memref<4x1024x1024xf32, #tpu.memory_space<vmem>>, vector<1x1024x1024xf32>
      %get3A_232 = vector.shape_cast %get3A_231 : vector<1x1024x1024xf32> to vector<1024x1024xf32>
      %convert_element_type3A_233 = arith.truncf %get3A_232 : vector<1024x1024xf32> to vector<1024x1024xbf16>
      %dot_general3A_234 = arith.constant dense<0.000000e+00> : vector<1024x1024xf32>
      %dot_general3A_235 = tpu.matmul %get3A_227, %convert_element_type3A_233, %dot_general3A_234 {dimension_numbers = #tpu.dot_dimension_numbers<[1], [0], [0], [1], [0, 0, 1, 1], [], []>, transpose_lhs_hint = false} : vector<1024x1024xbf16>, vector<1024x1024xbf16>, vector<1024x1024xf32> -> vector<1024x1024xf32>
      %get3A_236 = arith.index_cast %rem3A_202 : i32 to index
      %get3A_237 = arith.constant 0 : index
      %get3A_238 = arith.constant 0 : index
      %get3A_239 = vector.load %arg9[%get3A_236, %get3A_237, %get3A_238] : memref<4x1x1024xf32, #tpu.memory_space<vmem>>, vector<1x1x1024xf32>
      %get3A_240 = vector.shape_cast %get3A_239 : vector<1x1x1024xf32> to vector<1x1024xf32>
      %add3A_241 = vector.broadcast %get3A_240 : vector<1x1024xf32> to vector<1024x1024xf32>
      %add3A_242 = arith.addf %dot_general3A_235, %add3A_241 : vector<1024x1024xf32>
      %swap3A_243 = arith.index_cast %rem3A_202 : i32 to index
      %swap3A_244 = arith.constant 0 : index
      %swap3A_245 = arith.constant 0 : index
      %swap3A_246 = vector.load %arg8[%swap3A_243, %swap3A_244, %swap3A_245] : memref<4x1024x1024xf32, #tpu.memory_space<vmem>>, vector<1x1024x1024xf32>
      %swap3A_247 = vector.shape_cast %swap3A_246 : vector<1x1024x1024xf32> to vector<1024x1024xf32>
      %swap3A_248 = vector.shape_cast %add3A_242 : vector<1024x1024xf32> to vector<1x1024x1024xf32>
      tpu.vector_store %arg8[%swap3A_243, %swap3A_244, %swap3A_245], %swap3A_248 {strides = array<i32>} : memref<4x1024x1024xf32, #tpu.memory_space<vmem>>, vector<1x1024x1024xf32>,
      %mul3A_249 = arith.constant 1024 : i32
      %mul3A_250 = arith.muli %scan3A_201, %mul3A_249 : i32
      %dma_start3A_251 = tpu.memref_slice %arg14[%rem3A_202] : memref<4x!tpu.dma_semaphore, #tpu.memory_space<semaphore_mem>> -> memref<1x!tpu.dma_semaphore, #tpu.memory_space<semaphore_mem>>
      %dma_start3A_252 = tpu.memref_squeeze %dma_start3A_251 : memref<1x!tpu.dma_semaphore, #tpu.memory_space<semaphore_mem>> -> memref<!tpu.dma_semaphore, #tpu.memory_space<semaphore_mem>>
      %dma_start3A_253 = arith.constant 0 : i32
      %dma_start3A_254 = tpu.memref_slice %arg5[%dma_start3A_253, %mul3A_250] : memref<1024x100000xf32, #tpu.memory_space<hbm>> -> memref<1024x1024xf32, #tpu.memory_space<hbm>>
      %dma_start3A_255 = arith.constant 0 : i32
      %dma_start3A_256 = arith.constant 0 : i32
      %dma_start3A_257 = tpu.memref_slice %arg8[%rem3A_202, %dma_start3A_255, %dma_start3A_256] : memref<4x1024x1024xf32, #tpu.memory_space<vmem>> -> memref<1x1024x1024xf32, #tpu.memory_space<vmem>>
      %dma_start3A_258 = tpu.memref_squeeze %dma_start3A_257 : memref<1x1024x1024xf32, #tpu.memory_space<vmem>> -> memref<1024x1024xf32, #tpu.memory_space<vmem>>
      tpu.enqueue_dma source(%dma_start3A_258 : memref<1024x1024xf32, #tpu.memory_space<vmem>>) target(%dma_start3A_254 : memref<1024x1024xf32, #tpu.memory_space<hbm>>) target_semaphore(%dma_start3A_252 : memref<!tpu.dma_semaphore, #tpu.memory_space<semaphore_mem>>)
      %add3A_259 = arith.constant 4 : i32
      %add3A_260 = arith.addi %scan3A_201, %add3A_259 : i32
      %lt3A = arith.constant 97 : i32
      %lt3A_261 = arith.cmpi slt, %add3A_260, %lt3A : i32
      %convert_element_type3A_262 = arith.extui %lt3A_261 : i1 to i32
      %cond3A_263 = arith.constant 0 : i32
      %cond3A_264 = arith.cmpi ne, %convert_element_type3A_262, %cond3A_263 : i32
      scf.if %cond3A_264 {
        %add3A_265 = arith.constant 4 : i32
        %add3A_266 = arith.addi %scan3A_201, %add3A_265 : i32
        %mul3A_267 = arith.constant 1024 : i32
        %mul3A_268 = arith.muli %add3A_266, %mul3A_267 : i32
        %dma_start3A_269 = tpu.memref_slice %arg13[%rem3A_202] : memref<4x!tpu.dma_semaphore, #tpu.memory_space<semaphore_mem>> -> memref<1x!tpu.dma_semaphore, #tpu.memory_space<semaphore_mem>>
        %dma_start3A_270 = tpu.memref_squeeze %dma_start3A_269 : memref<1x!tpu.dma_semaphore, #tpu.memory_space<semaphore_mem>> -> memref<!tpu.dma_semaphore, #tpu.memory_space<semaphore_mem>>
        %dma_start3A_271 = arith.constant 0 : i32
        %dma_start3A_272 = arith.constant 0 : i32
        %dma_start3A_273 = tpu.memref_slice %arg7[%rem3A_202, %dma_start3A_271, %dma_start3A_272] : memref<4x1024x1024xf32, #tpu.memory_space<vmem>> -> memref<1x1024x1024xf32, #tpu.memory_space<vmem>>
        %dma_start3A_274 = tpu.memref_squeeze %dma_start3A_273 : memref<1x1024x1024xf32, #tpu.memory_space<vmem>> -> memref<1024x1024xf32, #tpu.memory_space<vmem>>
        %dma_start3A_275 = arith.constant 0 : i32
        %dma_start3A_276 = tpu.memref_slice %arg4[%dma_start3A_275, %mul3A_268] : memref<1024x100000xf32, #tpu.memory_space<hbm>> -> memref<1024x1024xf32, #tpu.memory_space<hbm>>
        tpu.enqueue_dma source(%dma_start3A_276 : memref<1024x1024xf32, #tpu.memory_space<hbm>>) target(%dma_start3A_274 : memref<1024x1024xf32, #tpu.memory_space<vmem>>) target_semaphore(%dma_start3A_270 : memref<!tpu.dma_semaphore, #tpu.memory_space<semaphore_mem>>)
        %add3A_277 = arith.constant 4 : i32
        %add3A_278 = arith.addi %scan3A_201, %add3A_277 : i32
        %mul3A_279 = arith.constant 1024 : i32
        %mul3A_280 = arith.muli %add3A_278, %mul3A_279 : i32
        %dma_start3A_281 = tpu.memref_slice %arg15[%rem3A_202] : memref<4x!tpu.dma_semaphore, #tpu.memory_space<semaphore_mem>> -> memref<1x!tpu.dma_semaphore, #tpu.memory_space<semaphore_mem>>
        %dma_start3A_282 = tpu.memref_squeeze %dma_start3A_281 : memref<1x!tpu.dma_semaphore, #tpu.memory_space<semaphore_mem>> -> memref<!tpu.dma_semaphore, #tpu.memory_space<semaphore_mem>>
        %dma_start3A_283 = arith.constant 0 : i32
        %dma_start3A_284 = arith.constant 0 : i32
        %dma_start3A_285 = tpu.memref_slice %arg9[%rem3A_202, %dma_start3A_283, %dma_start3A_284] : memref<4x1x1024xf32, #tpu.memory_space<vmem>> -> memref<1x1x1024xf32, #tpu.memory_space<vmem>>
        %dma_start3A_286 = tpu.memref_squeeze %dma_start3A_285 : memref<1x1x1024xf32, #tpu.memory_space<vmem>> -> memref<1x1024xf32, #tpu.memory_space<vmem>>
        %dma_start3A_287 = arith.constant 0 : i32
        %dma_start3A_288 = tpu.memref_slice %arg3[%dma_start3A_287, %mul3A_280] : memref<1x100000xf32, #tpu.memory_space<hbm>> -> memref<1x1024xf32, #tpu.memory_space<hbm>>
        tpu.enqueue_dma source(%dma_start3A_288 : memref<1x1024xf32, #tpu.memory_space<hbm>>) target(%dma_start3A_286 : memref<1x1024xf32, #tpu.memory_space<vmem>>) target_semaphore(%dma_start3A_282 : memref<!tpu.dma_semaphore, #tpu.memory_space<semaphore_mem>>)
      } else {
      }
    }
    %scan3A_116 = arith.constant 97 : i32
    %dma_wait3A = arith.constant 0 : i32
    %dma_wait3A_117 = tpu.memref_slice %arg16[%dma_wait3A] : memref<3x!tpu.dma_semaphore, #tpu.memory_space<semaphore_mem>> -> memref<1x!tpu.dma_semaphore, #tpu.memory_space<semaphore_mem>>
    %dma_wait3A_118 = tpu.memref_squeeze %dma_wait3A_117 : memref<1x!tpu.dma_semaphore, #tpu.memory_space<semaphore_mem>> -> memref<!tpu.dma_semaphore, #tpu.memory_space<semaphore_mem>>
    %dma_wait3A_119 = arith.constant 0 : i32
    %dma_wait3A_120 = arith.constant 99328 : i32
    %dma_wait3A_121 = tpu.memref_slice %arg4[%dma_wait3A_119, %dma_wait3A_120] : memref<1024x100000xf32, #tpu.memory_space<hbm>> -> memref<1024x672xf32, #tpu.memory_space<hbm>>
    tpu.wait_dma2 semaphore(%dma_wait3A_118 : memref<!tpu.dma_semaphore, #tpu.memory_space<semaphore_mem>>) src(%dma_wait3A_121 : memref<1024x672xf32, #tpu.memory_space<hbm>>) dst(%arg10 : memref<1024x672xf32, #tpu.memory_space<vmem>>)
    %dma_wait3A_122 = arith.constant 1 : i32
    %dma_wait3A_123 = tpu.memref_slice %arg16[%dma_wait3A_122] : memref<3x!tpu.dma_semaphore, #tpu.memory_space<semaphore_mem>> -> memref<1x!tpu.dma_semaphore, #tpu.memory_space<semaphore_mem>>
    %dma_wait3A_124 = tpu.memref_squeeze %dma_wait3A_123 : memref<1x!tpu.dma_semaphore, #tpu.memory_space<semaphore_mem>> -> memref<!tpu.dma_semaphore, #tpu.memory_space<semaphore_mem>>
    %dma_wait3A_125 = arith.constant 0 : i32
    %dma_wait3A_126 = arith.constant 99328 : i32
    %dma_wait3A_127 = tpu.memref_slice %arg3[%dma_wait3A_125, %dma_wait3A_126] : memref<1x100000xf32, #tpu.memory_space<hbm>> -> memref<1x672xf32, #tpu.memory_space<hbm>>
    tpu.wait_dma2 semaphore(%dma_wait3A_124 : memref<!tpu.dma_semaphore, #tpu.memory_space<semaphore_mem>>) src(%dma_wait3A_127 : memref<1x672xf32, #tpu.memory_space<hbm>>) dst(%arg12 : memref<1x672xf32, #tpu.memory_space<vmem>>)
    %get3A_128 = arith.constant 0 : index
    %get3A_129 = arith.constant 0 : index
    %get3A_130 = vector.load %arg6[%get3A_128, %get3A_129] : memref<1024x1024xbf16, #tpu.memory_space<vmem>>, vector<1024x1024xbf16>
    %get3A_131 = arith.constant 0 : index
    %get3A_132 = arith.constant 0 : index
    %get3A_133 = vector.load %arg10[%get3A_131, %get3A_132] : memref<1024x672xf32, #tpu.memory_space<vmem>>, vector<1024x672xf32>
    %convert_element_type3A_134 = arith.truncf %get3A_133 : vector<1024x672xf32> to vector<1024x672xbf16>
    %dot_general3A_135 = arith.constant dense<0.000000e+00> : vector<1024x672xf32>
    %dot_general3A_136 = tpu.matmul %get3A_130, %convert_element_type3A_134, %dot_general3A_135 {dimension_numbers = #tpu.dot_dimension_numbers<[1], [0], [0], [1], [0, 0, 1, 1], [], []>, transpose_lhs_hint = false} : vector<1024x1024xbf16>, vector<1024x672xbf16>, vector<1024x672xf32> -> vector<1024x672xf32>
    %get3A_137 = arith.constant 0 : index
    %get3A_138 = arith.constant 0 : index
    %get3A_139 = vector.load %arg12[%get3A_137, %get3A_138] : memref<1x672xf32, #tpu.memory_space<vmem>>, vector<1x672xf32>
    %add3A_140 = vector.broadcast %get3A_139 : vector<1x672xf32> to vector<1024x672xf32>
    %add3A_141 = arith.addf %dot_general3A_136, %add3A_140 : vector<1024x672xf32>
    %swap3A_142 = arith.constant 0 : index
    %swap3A_143 = arith.constant 0 : index
    %swap3A_144 = vector.load %arg11[%swap3A_142, %swap3A_143] : memref<1024x672xf32, #tpu.memory_space<vmem>>, vector<1024x672xf32>
    tpu.vector_store %arg11[%swap3A_142, %swap3A_143], %add3A_141 {strides = array<i32>} : memref<1024x672xf32, #tpu.memory_space<vmem>>, vector<1024x672xf32>,
    %dma_start3A_145 = arith.constant 2 : i32
    %dma_start3A_146 = tpu.memref_slice %arg16[%dma_start3A_145] : memref<3x!tpu.dma_semaphore, #tpu.memory_space<semaphore_mem>> -> memref<1x!tpu.dma_semaphore, #tpu.memory_space<semaphore_mem>>
    %dma_start3A_147 = tpu.memref_squeeze %dma_start3A_146 : memref<1x!tpu.dma_semaphore, #tpu.memory_space<semaphore_mem>> -> memref<!tpu.dma_semaphore, #tpu.memory_space<semaphore_mem>>
    %dma_start3A_148 = arith.constant 0 : i32
    %dma_start3A_149 = arith.constant 99328 : i32
    %dma_start3A_150 = tpu.memref_slice %arg5[%dma_start3A_148, %dma_start3A_149] : memref<1024x100000xf32, #tpu.memory_space<hbm>> -> memref<1024x672xf32, #tpu.memory_space<hbm>>
    tpu.enqueue_dma source(%arg11 : memref<1024x672xf32, #tpu.memory_space<vmem>>) target(%dma_start3A_150 : memref<1024x672xf32, #tpu.memory_space<hbm>>) target_semaphore(%dma_start3A_147 : memref<!tpu.dma_semaphore, #tpu.memory_space<semaphore_mem>>)
    %dma_wait3A_151 = arith.constant 1 : i32
    %dma_wait3A_152 = arith.constant 1 : i32
    %dma_wait3A_153 = tpu.memref_slice %arg14[%dma_wait3A_152] : memref<4x!tpu.dma_semaphore, #tpu.memory_space<semaphore_mem>> -> memref<1x!tpu.dma_semaphore, #tpu.memory_space<semaphore_mem>>
    %dma_wait3A_154 = tpu.memref_squeeze %dma_wait3A_153 : memref<1x!tpu.dma_semaphore, #tpu.memory_space<semaphore_mem>> -> memref<!tpu.dma_semaphore, #tpu.memory_space<semaphore_mem>>
    %dma_wait3A_155 = arith.constant 0 : i32
    %dma_wait3A_156 = arith.constant 95232 : i32
    %dma_wait3A_157 = tpu.memref_slice %arg5[%dma_wait3A_155, %dma_wait3A_156] : memref<1024x100000xf32, #tpu.memory_space<hbm>> -> memref<1024x1024xf32, #tpu.memory_space<hbm>>
    %dma_wait3A_158 = arith.constant 0 : i32
    %dma_wait3A_159 = arith.constant 0 : i32
    %dma_wait3A_160 = tpu.memref_slice %arg8[%dma_wait3A_151, %dma_wait3A_158, %dma_wait3A_159] : memref<4x1024x1024xf32, #tpu.memory_space<vmem>> -> memref<1x1024x1024xf32, #tpu.memory_space<vmem>>
    %dma_wait3A_161 = tpu.memref_squeeze %dma_wait3A_160 : memref<1x1024x1024xf32, #tpu.memory_space<vmem>> -> memref<1024x1024xf32, #tpu.memory_space<vmem>>
    tpu.wait_dma2 semaphore(%dma_wait3A_154 : memref<!tpu.dma_semaphore, #tpu.memory_space<semaphore_mem>>) src(%dma_wait3A_161 : memref<1024x1024xf32, #tpu.memory_space<vmem>>) dst(%dma_wait3A_157 : memref<1024x1024xf32, #tpu.memory_space<hbm>>)
    %dma_wait3A_162 = arith.constant 2 : i32
    %dma_wait3A_163 = arith.constant 2 : i32
    %dma_wait3A_164 = tpu.memref_slice %arg14[%dma_wait3A_163] : memref<4x!tpu.dma_semaphore, #tpu.memory_space<semaphore_mem>> -> memref<1x!tpu.dma_semaphore, #tpu.memory_space<semaphore_mem>>
    %dma_wait3A_165 = tpu.memref_squeeze %dma_wait3A_164 : memref<1x!tpu.dma_semaphore, #tpu.memory_space<semaphore_mem>> -> memref<!tpu.dma_semaphore, #tpu.memory_space<semaphore_mem>>
    %dma_wait3A_166 = arith.constant 0 : i32
    %dma_wait3A_167 = arith.constant 96256 : i32
    %dma_wait3A_168 = tpu.memref_slice %arg5[%dma_wait3A_166, %dma_wait3A_167] : memref<1024x100000xf32, #tpu.memory_space<hbm>> -> memref<1024x1024xf32, #tpu.memory_space<hbm>>
    %dma_wait3A_169 = arith.constant 0 : i32
    %dma_wait3A_170 = arith.constant 0 : i32
    %dma_wait3A_171 = tpu.memref_slice %arg8[%dma_wait3A_162, %dma_wait3A_169, %dma_wait3A_170] : memref<4x1024x1024xf32, #tpu.memory_space<vmem>> -> memref<1x1024x1024xf32, #tpu.memory_space<vmem>>
    %dma_wait3A_172 = tpu.memref_squeeze %dma_wait3A_171 : memref<1x1024x1024xf32, #tpu.memory_space<vmem>> -> memref<1024x1024xf32, #tpu.memory_space<vmem>>
    tpu.wait_dma2 semaphore(%dma_wait3A_165 : memref<!tpu.dma_semaphore, #tpu.memory_space<semaphore_mem>>) src(%dma_wait3A_172 : memref<1024x1024xf32, #tpu.memory_space<vmem>>) dst(%dma_wait3A_168 : memref<1024x1024xf32, #tpu.memory_space<hbm>>)
    %dma_wait3A_173 = arith.constant 3 : i32
    %dma_wait3A_174 = arith.constant 3 : i32
    %dma_wait3A_175 = tpu.memref_slice %arg14[%dma_wait3A_174] : memref<4x!tpu.dma_semaphore, #tpu.memory_space<semaphore_mem>> -> memref<1x!tpu.dma_semaphore, #tpu.memory_space<semaphore_mem>>
    %dma_wait3A_176 = tpu.memref_squeeze %dma_wait3A_175 : memref<1x!tpu.dma_semaphore, #tpu.memory_space<semaphore_mem>> -> memref<!tpu.dma_semaphore, #tpu.memory_space<semaphore_mem>>
    %dma_wait3A_177 = arith.constant 0 : i32
    %dma_wait3A_178 = arith.constant 97280 : i32
    %dma_wait3A_179 = tpu.memref_slice %arg5[%dma_wait3A_177, %dma_wait3A_178] : memref<1024x100000xf32, #tpu.memory_space<hbm>> -> memref<1024x1024xf32, #tpu.memory_space<hbm>>
    %dma_wait3A_180 = arith.constant 0 : i32
    %dma_wait3A_181 = arith.constant 0 : i32
    %dma_wait3A_182 = tpu.memref_slice %arg8[%dma_wait3A_173, %dma_wait3A_180, %dma_wait3A_181] : memref<4x1024x1024xf32, #tpu.memory_space<vmem>> -> memref<1x1024x1024xf32, #tpu.memory_space<vmem>>
    %dma_wait3A_183 = tpu.memref_squeeze %dma_wait3A_182 : memref<1x1024x1024xf32, #tpu.memory_space<vmem>> -> memref<1024x1024xf32, #tpu.memory_space<vmem>>
    tpu.wait_dma2 semaphore(%dma_wait3A_176 : memref<!tpu.dma_semaphore, #tpu.memory_space<semaphore_mem>>) src(%dma_wait3A_183 : memref<1024x1024xf32, #tpu.memory_space<vmem>>) dst(%dma_wait3A_179 : memref<1024x1024xf32, #tpu.memory_space<hbm>>)
    %dma_wait3A_184 = arith.constant 0 : i32
    %dma_wait3A_185 = arith.constant 0 : i32
    %dma_wait3A_186 = tpu.memref_slice %arg14[%dma_wait3A_185] : memref<4x!tpu.dma_semaphore, #tpu.memory_space<semaphore_mem>> -> memref<1x!tpu.dma_semaphore, #tpu.memory_space<semaphore_mem>>
    %dma_wait3A_187 = tpu.memref_squeeze %dma_wait3A_186 : memref<1x!tpu.dma_semaphore, #tpu.memory_space<semaphore_mem>> -> memref<!tpu.dma_semaphore, #tpu.memory_space<semaphore_mem>>
    %dma_wait3A_188 = arith.constant 0 : i32
    %dma_wait3A_189 = arith.constant 98304 : i32
    %dma_wait3A_190 = tpu.memref_slice %arg5[%dma_wait3A_188, %dma_wait3A_189] : memref<1024x100000xf32, #tpu.memory_space<hbm>> -> memref<1024x1024xf32, #tpu.memory_space<hbm>>
    %dma_wait3A_191 = arith.constant 0 : i32
    %dma_wait3A_192 = arith.constant 0 : i32
    %dma_wait3A_193 = tpu.memref_slice %arg8[%dma_wait3A_184, %dma_wait3A_191, %dma_wait3A_192] : memref<4x1024x1024xf32, #tpu.memory_space<vmem>> -> memref<1x1024x1024xf32, #tpu.memory_space<vmem>>
    %dma_wait3A_194 = tpu.memref_squeeze %dma_wait3A_193 : memref<1x1024x1024xf32, #tpu.memory_space<vmem>> -> memref<1024x1024xf32, #tpu.memory_space<vmem>>
    tpu.wait_dma2 semaphore(%dma_wait3A_187 : memref<!tpu.dma_semaphore, #tpu.memory_space<semaphore_mem>>) src(%dma_wait3A_194 : memref<1024x1024xf32, #tpu.memory_space<vmem>>) dst(%dma_wait3A_190 : memref<1024x1024xf32, #tpu.memory_space<hbm>>)
    %dma_wait3A_195 = arith.constant 2 : i32
    %dma_wait3A_196 = tpu.memref_slice %arg16[%dma_wait3A_195] : memref<3x!tpu.dma_semaphore, #tpu.memory_space<semaphore_mem>> -> memref<1x!tpu.dma_semaphore, #tpu.memory_space<semaphore_mem>>
    %dma_wait3A_197 = tpu.memref_squeeze %dma_wait3A_196 : memref<1x!tpu.dma_semaphore, #tpu.memory_space<semaphore_mem>> -> memref<!tpu.dma_semaphore, #tpu.memory_space<semaphore_mem>>
    %dma_wait3A_198 = arith.constant 0 : i32
    %dma_wait3A_199 = arith.constant 99328 : i32
    %dma_wait3A_200 = tpu.memref_slice %arg5[%dma_wait3A_198, %dma_wait3A_199] : memref<1024x100000xf32, #tpu.memory_space<hbm>> -> memref<1024x672xf32, #tpu.memory_space<hbm>>
    tpu.wait_dma2 semaphore(%dma_wait3A_197 : memref<!tpu.dma_semaphore, #tpu.memory_space<semaphore_mem>>) src(%arg11 : memref<1024x672xf32, #tpu.memory_space<vmem>>) dst(%dma_wait3A_200 : memref<1024x672xf32, #tpu.memory_space<hbm>>)
    return
  }
}

</mosaic_0001>

<sc_bundles>
// kernel: kernel.4.cloned.1.call-start
scs
__scs_entry_jumppad:
0x0: {  	(pc) =	sbr.rel $0x88, $3  }
0x1: {  	(tag) =	ssettag $0x0;
	lr =	simm.s32 $0x1  }
0x2: {  	[smem:$0x3F9B] =	sst lr;
	_ =	strace $0xD0000000  }
0x3: {  	_ = 	snop  }
0x4: {  	_ = 	snop  }
0x5: {  	_ = 	snop  }
0x6: {  	_ = 	snop  }
0x7: {  	_ = 	snop  }
__scs_overlays_trampoline_lowered:
0x8: {  	[smem:$0x3FAA] =	sst s0  }
0x9: {  	[smem:$0x3FAB] =	sst s1  }
0xa: {  	[smem:$0x3FAC] =	sst s2  }
0xb: {  	[smem:$0x3FAD] =	sst s3  }
0xc: {  	[smem:$0x3FAE] =	sst s4  }
0xd: {  	[smem:$0x3FAF] =	sst s5  }
0xe: {  	[smem:$0x3FB0] =	sst s6  }
0xf: {  	[smem:$0x3FB1] =	sst s7  }
0x10: {  	[smem:$0x3FB2] =	sst s8  }
0x11: {  	[smem:$0x3FB3] =	sst s9;
	s0 =	simm.s32 @!p0 $0x0  }
0x12: {  	s1 =	sld [smem:$0x3F99];
	s0 =	simm.s32 @p0 $0x1  }
0x13: {  	[smem:$0x3FB4] =	sst s0;
	s0 =	simm.s32 @!p1 $0x0  }
0x14: {  	s2 =	sld [smem:$0x3F98];
	s0 =	simm.s32 @p1 $0x1  }
0x15: {  	[smem:$0x3FB5] =	sst s0;
	s0 =	simm.s32 @!p2 $0x0  }
0x16: {  	s3 =	sld [smem:$0x3FDB];
	s0 =	simm.s32 @p2 $0x1  }
0x17: {  	s4 =	simm.s32 $0x1BF5;
	[smem:$0x3FB7] =	sst s0  }
0x18: {  	s0 =	sld [smem:$0x3F9A];
	_ =	swait.ge [sflag:s4], $0x0  }
0x19: {  	s7 =	sld [smem:$0x3F9B]  }
0x1a: {  	s8 =	sadd.s32 $0xFFFFE003, lr  }
0x1b: {  	s9 =	sadd.s32 $0xFFFFFEF7, lr;
	s5 =	simm.s32 $0xFFFFFFFF;
	p2 =	slt.u32 s8, $0xFFFFF086  }
0x1c: {  	p1 =	slt.u32 s9, $0xF7A;
	s5 =	simm.s32 @!p2 $0x0  }
0x1d: {  	s5 =	simm.s32 @p1 $0x1;
	p0 =	seq.s32 s7, s2  }
0x1e: {  	s7 =	smul.u32 @!p0 $0xF7A, s2;
	p2 =	seq.s32 @!p0 s5, $0x0  }
0x1f: {  	s9 =	smul.u32 $0xF7A, s1;
	s8 =	simm.s32 @!p0 $0x1BF5;
	p2 =	por !p2, p0  }
0x20: {  	[sflag:s8] =	ssyncset.s32 @!p0 $0xFFFFF086;
	s6 =	sadd.s32 @!p0 s3, s7;
	s7 =	simm.s32 @!p0 $0x108  }
0x21: {  	s3 =	sadd.s32 s3, s9;
	s6 =	sadd.s32 @!p0 $0x88, s6;
	s7 =	simm.s32 @p2 $0x1082  }
0x22: {  	[simem:s7], [sflag:s8] =	dma.local @!p0 [hbm:s6], $0xF7A  }
0x23: {  	s9 =	sor.u32 $0xD0000000, s2;
	s6 =	simm.s32 $0x108;
	_ =	swait.ge @!p0 [sflag:s8], $0x0  }
0x24: {  	s3 =	sadd.s32 $0x88, s3;
	s6 =	simm.s32 @!p1 $0x1082;
	[sflag:s4] =	ssyncset.s32 $0xFFFFF086  }
0x25: {  	[simem:s6], [sflag:s4] =	dma.local [hbm:s3], $0xF7A  }
0x26: {  	[smem:$0x3F9B] =	sst s1;
	(tag) =	ssettag s2;
	_ =	strace s9  }
0x27: {  	s1 =	sld [smem:$0x3FAB]  }
0x28: {  	s2 =	sld [smem:$0x3FAC]  }
0x29: {  	s4 =	sld [smem:$0x3FAE]  }
0x2a: {  	p0 =	seq.s32 s5, $0x0;
	s5 =	sld [smem:$0x3FAF]  }
0x2b: {  	s6 =	sld [smem:$0x3FB0]  }
0x2c: {  	s7 =	sld [smem:$0x3FB1]  }
0x2d: {  	s3 =	simm.s32 $0x108;
	s8 =	sld [smem:$0x3FB2]  }
0x2e: {  	s3 =	simm.s32 @!p0 $0x1082;
	s9 =	sld [smem:$0x3FB3]  }
0x2f: {  	lr =	sadd.s32 s0, s3;
	s0 =	sld [smem:$0x3FAA]  }
0x30: {  	s3 =	sld [smem:$0x3FAD]  }
0x31: {  	[smem:$0x3FB6] =	sst s10  }
0x32: {  	s10 =	sld [smem:$0x3FB4];
	_ =	sdelay $0x3  }
0x33: {  	p0 =	seq.s32 s10, $0x1;
	s10 =	sld [smem:$0x3FB6];
	_ =	sdelay $0x3  }
0x34: {  	[smem:$0x3FB6] =	sst s10  }
0x35: {  	s10 =	sld [smem:$0x3FB5];
	_ =	sdelay $0x3  }
0x36: {  	p1 =	seq.s32 s10, $0x1;
	s10 =	sld [smem:$0x3FB6];
	_ =	sdelay $0x3  }
0x37: {  	[smem:$0x3FB6] =	sst s10  }
0x38: {  	s10 =	sld [smem:$0x3FB7]  }
0x39: {  	_ = 	snop;
	(pc) =	sbr.ind lr, $3  }
0x3a: {  	_ = 	snop  }
0x3b: {  	_ = 	snop  }
0x3c: {  	p2 =	seq.s32 s10, $0x1;
	s10 =	sld [smem:$0x3FB6]  }
0x3d: {  	_ =	shalt  }
0x3e: {  	_ =	shalt  }
0x3f: {  	_ =	shalt  }
0x40: {  	_ =	shalt  }
0x41: {  	_ =	shalt  }
0x42: {  	_ =	shalt  }
0x43: {  	_ =	shalt  }
0x44: {  	_ =	shalt  }
0x45: {  	_ =	shalt  }
0x46: {  	_ =	shalt  }
0x47: {  	_ =	shalt  }
0x48: {  	_ =	shalt  }
0x49: {  	_ =	shalt  }
0x4a: {  	_ =	shalt  }
0x4b: {  	_ =	shalt  }
0x4c: {  	_ =	shalt  }
0x4d: {  	_ =	shalt  }
0x4e: {  	_ =	shalt  }
0x4f: {  	_ =	shalt  }
0x50: {  	_ =	shalt  }
0x51: {  	_ =	shalt  }
0x52: {  	_ =	shalt  }
0x53: {  	_ =	shalt  }
0x54: {  	_ =	shalt  }
0x55: {  	_ =	shalt  }
0x56: {  	_ =	shalt  }
0x57: {  	_ =	shalt  }
0x58: {  	_ =	shalt  }
0x59: {  	_ =	shalt  }
0x5a: {  	_ =	shalt  }
0x5b: {  	_ =	shalt  }
0x5c: {  	_ =	shalt  }
0x5d: {  	_ =	shalt  }
0x5e: {  	_ =	shalt  }
0x5f: {  	_ =	shalt  }
0x60: {  	_ =	shalt  }
0x61: {  	_ =	shalt  }
0x62: {  	_ =	shalt  }
0x63: {  	_ =	shalt  }
0x64: {  	_ =	shalt  }
0x65: {  	_ =	shalt  }
0x66: {  	_ =	shalt  }
0x67: {  	_ =	shalt  }
0x68: {  	_ =	shalt  }
0x69: {  	_ =	shalt  }
0x6a: {  	_ =	shalt  }
0x6b: {  	_ =	shalt  }
0x6c: {  	_ =	shalt  }
0x6d: {  	_ =	shalt  }
0x6e: {  	_ =	shalt  }
0x6f: {  	_ =	shalt  }
0x70: {  	_ =	shalt  }
0x71: {  	_ =	shalt  }
0x72: {  	_ =	shalt  }
0x73: {  	_ =	shalt  }
0x74: {  	_ =	shalt  }
0x75: {  	_ =	shalt  }
0x76: {  	_ =	shalt  }
0x77: {  	_ =	shalt  }
0x78: {  	_ =	shalt  }
0x79: {  	_ =	shalt  }
0x7a: {  	_ =	shalt  }
0x7b: {  	_ =	shalt  }
0x7c: {  	_ =	shalt  }
0x7d: {  	_ =	shalt  }
0x7e: {  	_ =	shalt  }
0x7f: {  	_ =	shalt  }
0x80: {  	_ =	shalt  }
0x81: {  	_ =	shalt  }
0x82: {  	_ =	shalt  }
0x83: {  	_ =	shalt  }
0x84: {  	_ =	shalt  }
0x85: {  	_ =	shalt  }
0x86: {  	_ =	shalt  }
0x87: {  	_ =	shalt  }
.Lfunc_end0:
.L_simem_size_0:
called_computation_lowered:
.L_overlay_start_0:
0x88: {  	s2 =	sld [smem:$0x3FD9]  }
0x89: {  	s3 =	sld [smem:$0x3FFE];
	_ =	sdelay $0x1  }
0x8a: {  	s1 =	srdreg.scid  }
0x8b: {  	s0 =	sand.u32 $0x1, s1  }
0x8c: {  	s16 =	sshll.u32 s0, $0xA;
	s2 =	sadd.s32 s3, s2  }
0x8d: {  	s2 =	sadd.s32 s2, s16  }
0x8e: {  	[smem:$0x3FC2] =	sst s2  }
0x8f: {  	_ = 	snop  }
0x90: {  	(tm) =	ssettm $0x1  }
0x91: {  	s17 =	sld [smem:$0x3FFB];
	_ =	sdelay $0x3  }
0x92: {  	_ =	strace s17  }
0x93: {  	s2 =	sld [smem:$0x3FFC];
	_ =	sdelay $0x3  }
0x94: {  	_ =	strace s2  }
0x95: {  	s2 =	sld [smem:$0x3FFD];
	_ =	sdelay $0x3  }
0x96: {  	_ =	strace s2  }
0x97: {  	_ =	strace $0x8FFFFFFF  }
0x98: {  	s18 =	sld [smem:$0x3FDB];
	_ =	sdelay $0x1  }
0x99: {  	s19 =	simm.s32 $_scs_section_size  }
0x9a: {  	s4 =	simm.s32 $_size__tile_overlayer_lowered;
	s5 =	simm.s32 $_tile_overlayer_lowered  }
0x9b: {  	s22 =	simm.s32 $0x1BFF;
	s21 =	sshll.u32 s5, $0x1;
	s2 =	sadd.s32 s19, s18  }
0x9c: {  	s6 =	simm.s32 $0x0;
	s20 =	sshll.u32 s4, $0x1;
	s4 =	sadd.s32 s21, s2  }
0x9d: {  	[timem:s6], [sflag:s22] =	dma.local [hbm:s4], s20  }
0x9e: {  	_ =	swait.ge [sflag:s22], s20  }
0x9f: {  	s3 =	ssub.s32 $0x0, s20;
	[sflag:s22] =	ssyncset.done $0x0  }
0xa0: {  	[sflag:s22] =	ssyncadd.s32 s3;
	_ =	sdelay $0x1  }
0xa1: {  	s23 =	simm.s32 $0x1B8B  }
0xa2: {  	_ =	swait.ge [sflag:s23], $0x1  }
0xa3: {  	[sflag:s23] =	ssyncset.done $0x0  }
0xa4: {  	s25 =	simm.s32 $0x1B8E;
	s24 =	sld [smem:$0x3FFE];
	[sflag:s23] =	ssyncadd.s32 $0xFFFFFFFF  }
0xa5: {  	s26 =	simm.s32 $execute0_lowered;
	[smem:$0x3FD2] =	sst s25  }
0xa6: {  	s4 =	sshll.u32 s26, $0x1;
	_ =	strace $0x80000046;
	[dreg:$0x1] =	wrdreg $0xFFFFFFFF  }
0xa7: {  	s28 =	simm.s32 $_size_execute0_lowered;
	s2 =	sadd.s32 s2, s4;
	[dreg:$0x0] =	wrdreg $0x0  }
0xa8: {  	s4 =	sshll.u32 s28, $0x1;
	[dreg:$0x2] =	wrdreg s2  }
0xa9: {  	[dreg:$0x3] =	wrdreg s4  }
0xaa: {  	[dreg:$0x4] =	wrdreg $0xC0  }
0xab: {  	_ =	task [dreg:s6], $0x5FFFF  }
0xac: {  	[dreg:$0x1] =	wrdreg $0xFFFFFFFF  }
0xad: {  	[dreg:$0x0] =	wrdreg $0x60  }
0xae: {  	[dreg:$0x2] =	wrdreg s24  }
0xaf: {  	[dreg:$0x3] =	wrdreg $0x9  }
0xb0: {  	_ =	task.clear_ibuf [dreg:s6], $0x4FFFF;
	_ =	strace $0x90000046  }
0xb1: {  	s29 =	simm.s32 $0x9;
	_ =	strace $0x80000048  }
0xb2: {  	_ =	swait.ge [sflag:s29], $0x1  }
0xb3: {  	[sflag:s29] =	ssyncadd.s32 $0xFFFFFFFF  }
0xb4: {  	_ =	strace $0x90000048  }
0xb5: {  	_ =	sfence  }
0xb6: {  	s30 =	sld [smem:$0x0];
	_ =	sdelay $0x2  }
0xb7: {  	s31 =	sshll.u32 s1, $0xD;
	s1 =	sshrl.u32 s1, $0x2  }
0xb8: {  	s3 =	sand.u32 $0x4000, s31;
	s1 =	sadd.s32 s1, s30  }
0xb9: {  	s0 =	sor.u32 s3, s0;
	s1 =	sshll.u32 s1, $0x11  }
0xba: {  	s0 =	sor.u32 s1, s0  }
0xbb: {  	s0 =	sadd.s32 $0x8F2B, s0  }
0xbc: {  	[sflag:s0] =	ssyncadd.remote.s32 $0x1  }
0xbd: {  	_ =	sfence.sel $0xFFFF  }
0xbe: {  	[dreg:$0x0] =	wrdreg $0xFFFFFFFF;
	(pc) =	sbr.abs _section_cstart, $3  }
0xbf: {  	[dreg:$0x1] =	wrdreg $0xFFFFFFFF  }
0xc0: {  	_ =	task.clear_ibuf [dreg:s6], $0x2FFFF;
	_ =	strace $0x9FFFFFFF  }
0xc1: {  	(tm) =	ssettm $0x7FFFFFFF  }
tec
execute0_lowered:
.L_overlay_start_1:
0x0: {  	(tag) =	ssettag $0x1  }
0x1: {  	s1 =	srdreg.scid;
	s0 =	stileid.u32  }
0x2: {  	s6 =	sand.u32 $0x1, s1;
	s30 =	sshll.u32 s0, $0x1  }
0x3: {  	s8 =	rddreg [dreg:$0x0];
	s7 =	sor.u32 s6, s30  }
0x4: {  	s2 =	simm.s32 $0x0;
	s1 =	rddreg [dreg:$0x1];
	s3 =	smul.u32 $0x50, s7  }
0x5: {  	[smem:$0x7FF] =	sst s2;
	s5 =	sadd.s32 $0x1000, s8  }
0x6: {  	_ =	strace $0x80000047;
	s10 =	ssub.s32 $0x2, s6;
	s3 =	sadd.s32 s3, s8  }
0x7: {  	s6 =	simm.s32 $0x280;
	s4 =	sadd.s32 $0x600, s3;
	s3 =	simm.s32 $0x2  }
0x8: {  	[tilespmem:s2], [sflag:$0x2] =	stream.linear.gather [hbm4b:s4+s2], $0x280, $0x38;
	[tilespmem:$0x2A80] =	vst v63  }
0x9: {  	s9 =	smul.u32 $0x500, s7;
	s11 =	sshrl.u32 s10, $0x1;
	_ =	swait.ge [sflag:s3], $0x280  }
0xa: {  	s7 =	simm.s32 $0x1;
	s31 =	ssub.s32 s10, s11;
	[sflag:s3] =	ssyncset.done $0x0  }
0xb: {  	s8 =	sadd.s32 s9, s8;
	s9 =	smax.u32 s31, $0x1;
	[sflag:s3] =	ssyncadd.s32 $0xFFFFFD80  }
0xc: {  	[tilespmem:s6], [sflag:$0x1] =	stream.indirect.gather [hbm4b:s5+s6], $0x10, s2, s6, $0xb8;
	[tilespmem:$0x2A80] =	vst v63  }
0xd: {  	p0 =	sne.s32 s9, $0x1;
	_ =	swait.ge [sflag:s7], $0x2800  }
.Ltmp0:
0xe: {  	[sflag:s7] =	ssyncset.done $0x0;
	(pc) =	sbr.rel @!p0 .LBB2_2-.Ltmp0, $4  }
0xf: {  	s8 =	sadd.s32 $0x31E00, s8;
	[sflag:s7] =	ssyncadd.s32 $0xFFFFD800  }
0x10: {  	[hbm4b:s8+s2] =	stream.linear.scatter [tilespmem:s6], [sflag:$0x2], $0x2800, $0x38;
	[tilespmem:$0x2A80] =	vst v63  }
0x11: {  	_ =	swait.ge [sflag:s3], $0x2800  }
0x12: {  	s9 =	sadd.s32 $0xFFFFFFFF, s9;
	[sflag:s3] =	ssyncset.done $0x0  }
.LBB2_1:
0x13: {  	p0 =	sne.s32 s9, $0x1;
	s9 =	sadd.s32 $0xFFFFFFFF, s9;
	[sflag:s3] =	ssyncadd.s32 $0xFFFFD800  }
0x14: {  	[tilespmem:s2], [sflag:$0x2] =	stream.linear.gather [hbm4b:s4+s2], $0x280, $0x38;
	[tilespmem:$0x2A80] =	vst v63  }
0x15: {  	_ =	swait.ge [sflag:s3], $0x280  }
0x16: {  	[sflag:s3] =	ssyncset.done $0x0  }
0x17: {  	[sflag:s3] =	ssyncadd.s32 $0xFFFFFD80  }
0x18: {  	[tilespmem:s6], [sflag:$0x1] =	stream.indirect.gather [hbm4b:s5+s6], $0x10, s2, s6, $0xb8;
	[tilespmem:$0x2A80] =	vst v63  }
0x19: {  	_ =	swait.ge [sflag:s7], $0x2800  }
.Ltmp1:
0x1a: {  	[sflag:s7] =	ssyncset.done $0x0;
	(pc) =	sbr.rel @p0 .LBB2_1-.Ltmp1, $4  }
0x1b: {  	[sflag:s7] =	ssyncadd.s32 $0xFFFFD800  }
0x1c: {  	[hbm4b:s8+s2] =	stream.linear.scatter [tilespmem:s6], [sflag:$0x2], $0x2800, $0x38;
	[tilespmem:$0x2A80] =	vst v63  }
0x1d: {  	_ =	swait.ge [sflag:s3], $0x2800  }
0x1e: {  	[sflag:s3] =	ssyncset.done $0x0  }
.LBB2_2:
0x1f: {  	[sflag:s3] =	ssyncadd.s32 $0xFFFFD800  }
0x20: {  	_ =	sfence.sel $0x180000  }
0x21: {  	[bflag:$0x0] =	sbarrier.arrive $0xFFFF  }
0x22: {  	p0 =	sne.s32 s0, $0x0;
	_ =	strace $0x90000047  }
0x23: {  	s0 =	sadd.s32 @!p0 $0x100000, s1;
	[bflag:$0x2] =	sbarrier.arrive $0xFFFF  }
0x24: {  	[sflag:s0] =	ssyncadd.tile.s32 @!p0 $0x1;
	_ =	shalt  }
.Lfunc_end2:
_tile_overlayer_lowered:
.L_overlay_start_2:
0x25: {  	(tag) =	ssettag $0x2  }
0x26: {  	s0 =	rddreg [dreg:$0x0];
	s2 =	stileid.u32  }
0x27: {  	s1 =	rddreg [dreg:$0x1];
	p0 =	sne.s32 s2, $0x0  }
0x28: {  	s3 =	rddreg [dreg:$0x2];
	[bflag:$0x3] =	sbarrier.arrive $0xFFFF;
	s2 =	simm.s32 @!p0 $0x1C02  }
0x29: {  	[timem:s3], [sflag:s2] =	dma.local @!p0 [hbm:s0], s1  }
0x2a: {  	s0 =	simm.s32 @!p0 $0x2  }
0x2b: {  	_ =	swait.ge @!p0 [sflag:s0], s1  }
0x2c: {  	s1 =	ssub.s32 @!p0 $0x0, s1;
	[sflag:s0] =	ssyncset.done @!p0 $0x0  }
0x2d: {  	[sflag:s0] =	ssyncadd.s32 @!p0 s1  }
0x2e: {  	[bflag:$0x3] =	sbarrier.arrive $0xFFFF  }
0x2f: {  	_ =	shalt  }

</sc_bundles>
